<compile_context>
chip_gen: v7x
topology: tpu7x:2x2x1
jax: 0.10.2.dev20260603
libtpu: 0.0.44.dev20260713+nightly
codegen_flags: <defaults>
</compile_context>

<pallas_src>
import functools

import jax
import jax.numpy as jnp
from jax import lax
from jax.experimental import pallas as pl
from jax.experimental.pallas import tpu as pltpu
from jax.experimental.pallas import tpu_sc as plsc

_NC = 2
_NS = 16
_NW = _NC * _NS



def _pick_chunk(epw):
    for c in range(128, 7, -1):
        if c % 8 == 0 and epw % c == 0:
            return c
    raise ValueError(epw)


def _stripe(n):
    rps = (n // _NS) & ~7
    tail = n - _NS * rps
    return rps, tail


def _init_stripes(src_hbm, dst_sh, si, rps, tail, n):
    off = pl.multiple_of(si * rps, 8)
    pltpu.sync_copy(src_hbm.at[pl.ds(off, rps)], dst_sh.at[pl.ds(off, rps)])
    if tail:
        @pl.when(si == 0)
        def _():
            pltpu.sync_copy(src_hbm.at[pl.ds(_NS * rps, tail)],
                            dst_sh.at[pl.ds(_NS * rps, tail)])


def _drain_stripes(src_sh, out_hbm, ci, si, rps, tail, n):
    off = pl.multiple_of(si * rps, 8)
    obase = pl.multiple_of(ci * n, 8)
    pltpu.sync_copy(src_sh.at[pl.ds(off, rps)],
                    out_hbm.at[pl.ds(obase + off, rps)])
    if tail:
        @pl.when(si == 0)
        def _():
            pltpu.sync_copy(src_sh.at[pl.ds(_NS * rps, tail)],
                            out_hbm.at[pl.ds(obase + _NS * rps, tail)])


@functools.partial(jax.jit, static_argnames=("n", "d", "e"))
def _sc_degree(dst3, zerosnd, onesc, *, n, d, e):
    epw = e // _NW
    c = _pick_chunk(epw)
    iters = epw // c
    rps, tail = _stripe(n)
    mesh = plsc.VectorSubcoreMesh(core_axis_name="c", subcore_axis_name="s")

    @functools.partial(
        pl.kernel,
        mesh=mesh,
        out_type=jax.ShapeDtypeStruct((2 * n, d), jnp.float32),
        scratch_types=[
            pltpu.VMEM((iters, c), jnp.int32),
            pltpu.VMEM((c, d), jnp.float32),
            pltpu.VMEM_SHARED((n, d), jnp.float32),
        ],
    )
    def k(dst_hbm, z_hbm, ones_hbm, out_hbm, idx_v, ones_v, acc_sh):
        ci = lax.axis_index("c")
        si = lax.axis_index("s")
        wid = si * _NC + ci
        pltpu.sync_copy(ones_hbm, ones_v)
        pltpu.sync_copy(dst_hbm.at[wid], idx_v)
        _init_stripes(z_hbm, acc_sh, si, rps, tail, n)
        plsc.subcore_barrier()

        def body(j, carry):
            pltpu.sync_copy(ones_v, acc_sh.at[idx_v.at[j]], add=True)
            return carry

        lax.fori_loop(0, iters, body, 0)
        plsc.subcore_barrier()
        _drain_stripes(acc_sh, out_hbm, ci, si, rps, tail, n)

    return k(dst3, zerosnd, onesc)


@functools.partial(jax.jit, static_argnames=("n", "d", "e"))
def _sc_propagate(zs, src, dst3, zerosnd, *, n, d, e):
    epw = e // _NW
    c = _pick_chunk(epw)
    iters = epw // c
    rps, tail = _stripe(n)
    mesh = plsc.VectorSubcoreMesh(core_axis_name="c", subcore_axis_name="s")

    @functools.partial(
        pl.kernel,
        mesh=mesh,
        out_type=jax.ShapeDtypeStruct((2 * n, d), jnp.float32),
        scratch_types=[
            pltpu.VMEM((epw,), jnp.int32),
            pltpu.VMEM((iters, c), jnp.int32),
            pltpu.VMEM((c, d), jnp.float32),
            pltpu.VMEM((c, d), jnp.float32),
            pltpu.VMEM_SHARED((n, d), jnp.float32),
            pltpu.SemaphoreType.DMA,
            pltpu.SemaphoreType.DMA,
        ],
    )
    def k(zs_hbm, src_hbm, dst_hbm, z_hbm, out_hbm,
          sidx_v, didx_v, rows0, rows1, acc_sh, sem0, sem1):
        ci = lax.axis_index("c")
        si = lax.axis_index("s")
        wid = si * _NC + ci
        pltpu.sync_copy(src_hbm.at[pl.ds(pl.multiple_of(wid * epw, 8), epw)],
                        sidx_v)
        pltpu.sync_copy(dst_hbm.at[wid], didx_v)
        _init_stripes(z_hbm, acc_sh, si, rps, tail, n)
        plsc.subcore_barrier()

        def gather(j, rows, sem):
            pltpu.async_copy(zs_hbm.at[sidx_v.at[pl.ds(j * c, c)]], rows, sem)

        def wait_g(j, rows, sem):
            pltpu.make_async_copy(zs_hbm.at[sidx_v.at[pl.ds(j * c, c)]],
                                  rows, sem).wait()

        def scatter(j, rows):
            pltpu.sync_copy(rows, acc_sh.at[didx_v.at[j]], add=True)

        gather(0, rows0, sem0)

        def body(t, carry):
            j0 = 2 * t
            gather(j0 + 1, rows1, sem1)
            wait_g(j0, rows0, sem0)
            scatter(j0, rows0)
            gather(j0 + 2, rows0, sem0)
            wait_g(j0 + 1, rows1, sem1)
            scatter(j0 + 1, rows1)
            return carry

        pairs = (iters - 1) // 2
        lax.fori_loop(0, pairs, body, 0)
        if iters % 2 == 0:
            gather(iters - 1, rows1, sem1)
            wait_g(iters - 2, rows0, sem0)
            scatter(iters - 2, rows0)
            wait_g(iters - 1, rows1, sem1)
            scatter(iters - 1, rows1)
        else:
            wait_g(iters - 1, rows0, sem0)
            scatter(iters - 1, rows0)
        plsc.subcore_barrier()
        _drain_stripes(acc_sh, out_hbm, ci, si, rps, tail, n)

    return k(zs, src, dst3, zerosnd)



def _tc0a_body(x_ref, w_ref, u_ref):
    u_ref[...] = jnp.dot(x_ref[...], w_ref[...],
                         preferred_element_type=jnp.float32)


def _tc0a(x, w):
    n, dd = x.shape[0], w.shape[1]
    return pl.pallas_call(
        _tc0a_body,
        out_shape=jax.ShapeDtypeStruct((n, dd), jnp.float32),
    )(x, w)


def _tc0b_body(dp_ref, u_ref, dis_ref, zs_ref):
    n = u_ref.shape[0]
    dp = dp_ref[...]
    deg = dp[:n, 0:1] + dp[n:, 0:1] + 1.0
    dis = lax.rsqrt(deg)
    dis_ref[...] = dis
    zs_ref[...] = dis * u_ref[...]


def _tc0b(deg_parts, u):
    n, dd = u.shape
    return pl.pallas_call(
        _tc0b_body,
        out_shape=(jax.ShapeDtypeStruct((n, 1), jnp.float32),
                   jax.ShapeDtypeStruct((n, dd), jnp.float32)),
    )(deg_parts, u)


def _bn_input(p_ref, zs_ref, dis_ref, b_ref):
    n = zs_ref.shape[0]
    p = p_ref[...]
    return dis_ref[...] * (p[:n] + p[n:] + zs_ref[...]) + b_ref[...]


def _bn(h, g_ref, be_ref):
    mu = jnp.mean(h, axis=0, keepdims=True)
    var = jnp.mean((h - mu) * (h - mu), axis=0, keepdims=True)
    return g_ref[...] * (h - mu) * lax.rsqrt(var + 1e-5) + be_ref[...]


def _tcmid_body(p_ref, zs_ref, dis_ref, b_ref, g_ref, be_ref, w_ref, out_ref):
    h = _bn_input(p_ref, zs_ref, dis_ref, b_ref)
    hr = jnp.maximum(_bn(h, g_ref, be_ref), 0.0)
    out_ref[...] = dis_ref[...] * jnp.dot(hr, w_ref[...],
                                          preferred_element_type=jnp.float32)


def _tcmid(parts, zs, dis, b, g, be, w):
    n, dd = zs.shape
    return pl.pallas_call(
        _tcmid_body,
        out_shape=jax.ShapeDtypeStruct((n, w.shape[1]), jnp.float32),
    )(parts, zs, dis, b.reshape(1, dd), g.reshape(1, dd), be.reshape(1, dd), w)


def _tclast_body(p_ref, zs_ref, dis_ref, b_ref, g_ref, be_ref, out_ref):
    h = _bn_input(p_ref, zs_ref, dis_ref, b_ref)
    h = _bn(h, g_ref, be_ref)
    m = jnp.max(h, axis=1, keepdims=True)
    lse = jnp.log(jnp.sum(jnp.exp(h - m), axis=1, keepdims=True)) + m
    out_ref[...] = h - lse


def _tclast(parts, zs, dis, b, g, be):
    n, dd = zs.shape
    return pl.pallas_call(
        _tclast_body,
        out_shape=jax.ShapeDtypeStruct((n, dd), jnp.float32),
    )(parts, zs, dis, b.reshape(1, dd), g.reshape(1, dd), be.reshape(1, dd))



def kernel(x, edge_index, W1, b1, g1, be1, W2, b2, g2, be2, W3, b3, g3, be3):
    n, din = x.shape
    e = edge_index.shape[1]
    d = W1.shape[1]
    src = edge_index[0]
    dst = edge_index[1]
    epw = e // _NW
    c = _pick_chunk(epw)
    iters = epw // c

    zerosnd = jnp.zeros((n, d), jnp.float32)
    onesc = jnp.ones((c, d), jnp.float32)
    dst3 = dst.reshape(_NW, iters, c)

    u1 = _tc0a(x, W1)
    deg_parts = _sc_degree(dst3, zerosnd, onesc, n=n, d=d, e=e)
    dis, zs1 = _tc0b(deg_parts, u1)
    p1 = _sc_propagate(zs1, src, dst3, zerosnd, n=n, d=d, e=e)
    zs2 = _tcmid(p1, zs1, dis, b1, g1, be1, W2)
    p2 = _sc_propagate(zs2, src, dst3, zerosnd, n=n, d=d, e=e)
    zs3 = _tcmid(p2, zs2, dis, b2, g2, be2, W3)
    p3 = _sc_propagate(zs3, src, dst3, zerosnd, n=n, d=d, e=e)
    return _tclast(p3, zs3, dis, b3, g3, be3)

# --- scband reference (transcript-rebuilt; emitter-appended) ---
"""Pipeline reference for scband-gcn-batchnorm-75479755259979 (READ-ONLY COPY).

The authoritative reference and input builder live on the scoring server;
editing this copy changes nothing except your own understanding.
"""

import jax, jax.numpy as jnp
import numpy as np

N = 10000
E = 320000
D_IN = 128
D_HID = 128
D_OUT = 128


def setup_inputs(seed: int = 0) -> dict:
    key = jax.random.key(seed)
    ks = jax.random.split(key, 16)
    x = jax.random.normal(ks[0], (N, D_IN), dtype=jnp.float32)
    edge_index = jax.random.randint(ks[1], (2, E), 0, N, dtype=jnp.int32)
    s1 = 1.0 / np.sqrt(D_IN)
    s2 = 1.0 / np.sqrt(D_HID)
    W1 = jax.random.normal(ks[2], (D_IN, D_HID), dtype=jnp.float32) * s1
    b1 = jnp.zeros((D_HID,), dtype=jnp.float32)
    g1 = jnp.ones((D_HID,), dtype=jnp.float32)
    be1 = jnp.zeros((D_HID,), dtype=jnp.float32)
    W2 = jax.random.normal(ks[3], (D_HID, D_HID), dtype=jnp.float32) * s2
    b2 = jnp.zeros((D_HID,), dtype=jnp.float32)
    g2 = jnp.ones((D_HID,), dtype=jnp.float32)
    be2 = jnp.zeros((D_HID,), dtype=jnp.float32)
    W3 = jax.random.normal(ks[4], (D_HID, D_OUT), dtype=jnp.float32) * s2
    b3 = jnp.zeros((D_OUT,), dtype=jnp.float32)
    g3 = jnp.ones((D_OUT,), dtype=jnp.float32)
    be3 = jnp.zeros((D_OUT,), dtype=jnp.float32)
    return {"x": x, "edge_index": edge_index,
            "W1": W1, "b1": b1, "g1": g1, "be1": be1,
            "W2": W2, "b2": b2, "g2": g2, "be2": be2,
            "W3": W3, "b3": b3, "g3": g3, "be3": be3}


def _gcn_conv(x, edge_index, W, b):
    # x' = x @ W ; propagate with symmetric normalization and self-loops (PyG GCNConv default)
    h = x @ W
    self_loop = jnp.arange(N, dtype=edge_index.dtype)
    src = jnp.concatenate([edge_index[0], self_loop])
    dst = jnp.concatenate([edge_index[1], self_loop])
    deg = jax.ops.segment_sum(jnp.ones(src.shape[0], dtype=jnp.float32), dst, num_segments=N)
    dis = jnp.where(deg > 0, deg ** -0.5, 0.0)
    norm = dis[src] * dis[dst]
    msg = h[src] * norm[:, None]
    out = jax.ops.segment_sum(msg, dst, num_segments=N)
    return out + b


def _batchnorm(h, g, be, eps=1e-5):
    mu = jnp.mean(h, axis=0)
    var = jnp.var(h, axis=0)
    return g * (h - mu) * jax.lax.rsqrt(var + eps) + be


def reference(x, edge_index, W1, b1, g1, be1, W2, b2, g2, be2, W3, b3, g3, be3):
    h = _gcn_conv(x, edge_index, W1, b1)
    h = jax.nn.relu(_batchnorm(h, g1, be1))
    # dropout is identity in eval mode
    h = _gcn_conv(h, edge_index, W2, b2)
    h = jax.nn.relu(_batchnorm(h, g2, be2))
    h = _gcn_conv(h, edge_index, W3, b3)
    h = _batchnorm(h, g3, be3)
    return jax.nn.log_softmax(h, axis=1)

if __name__ == "__main__":
    import jax
    _d = setup_inputs()
    print(jax.jit(kernel)(*tuple(_d.values())))

</pallas_src>

<mosaic_0001>
#map = affine_map<(d0, d1) -> (0, 0, 0)>
#map1 = affine_map<(d0, d1) -> (0, 0)>
module attributes {stable_mosaic.version = 14 : i64} {
  func.func @k(%arg0: i32, %arg1: i32, %arg2: memref<32x125x80xi32, #tpu.memory_space<hbm>>, %arg3: memref<10000x128xf32, #tpu.memory_space<hbm>>, %arg4: memref<80x128xf32, #tpu.memory_space<hbm>>, %arg5: memref<20000x128xf32, #tpu.memory_space<hbm>>, %arg6: memref<125x80xi32, #tpu.memory_space<vmem>>, %arg7: memref<80x128xf32, #tpu.memory_space<vmem>>, %arg8: memref<10000x128xf32, #tpu.memory_space<vmem_shared>>) attributes {dimension_semantics = [#tpu.dimension_semantics<core_parallel>, #tpu.dimension_semantics<subcore_parallel>], iteration_bounds = array<i64: 2, 16>, scalar_prefetch = 0 : i64, scratch_operands = 3 : i64, tpu.core_type = #tpu.core_type<sc_vector_subcore>, window_params = [{transform_indices = #map}, {transform_indices = #map1}, {transform_indices = #map1}, {transform_indices = #map1}]} {
    %mul3A = arith.constant 2 : i32
    %mul3A_0 = arith.muli %arg1, %mul3A : i32
    %add3A = arith.addi %mul3A_0, %arg0 : i32
    "tpu.region"() ({
      %run_scoped3A = tpu.sem_alloc : memref<!tpu.dma_semaphore, #tpu.memory_space<semaphore_mem>>
      tpu.enqueue_dma source(%arg4 : memref<80x128xf32, #tpu.memory_space<hbm>>) target(%arg7 : memref<80x128xf32, #tpu.memory_space<vmem>>) target_semaphore(%run_scoped3A : memref<!tpu.dma_semaphore, #tpu.memory_space<semaphore_mem>>)
      tpu.wait_dma2 semaphore(%run_scoped3A : memref<!tpu.dma_semaphore, #tpu.memory_space<semaphore_mem>>) src(%arg4 : memref<80x128xf32, #tpu.memory_space<hbm>>) dst(%arg7 : memref<80x128xf32, #tpu.memory_space<vmem>>)
      tpu.yield
    }) : () -> ()
    "tpu.region"() ({
      %run_scoped3A = tpu.sem_alloc : memref<!tpu.dma_semaphore, #tpu.memory_space<semaphore_mem>>
      %dma_start3A = arith.constant 0 : i32
      %dma_start3A_23 = arith.constant 0 : i32
      %dma_start3A_24 = tpu.memref_slice %arg2[%add3A, %dma_start3A, %dma_start3A_23] : memref<32x125x80xi32, #tpu.memory_space<hbm>> -> memref<1x125x80xi32, #tpu.memory_space<hbm>>
      %dma_start3A_25 = tpu.memref_squeeze %dma_start3A_24 : memref<1x125x80xi32, #tpu.memory_space<hbm>> -> memref<125x80xi32, #tpu.memory_space<hbm>>
      %dma_start3A_26 = arith.constant 0 : i32
      %dma_start3A_27 = arith.constant 0 : i32
      %dma_start3A_28 = tpu.memref_slice %arg2[%add3A, %dma_start3A_26, %dma_start3A_27] : memref<32x125x80xi32, #tpu.memory_space<hbm>> -> memref<1x125x80xi32, #tpu.memory_space<hbm>>
      %dma_start3A_29 = tpu.memref_squeeze %dma_start3A_28 : memref<1x125x80xi32, #tpu.memory_space<hbm>> -> memref<125x80xi32, #tpu.memory_space<hbm>>
      tpu.enqueue_dma source(%dma_start3A_29 : memref<125x80xi32, #tpu.memory_space<hbm>>) target(%arg6 : memref<125x80xi32, #tpu.memory_space<vmem>>) target_semaphore(%run_scoped3A : memref<!tpu.dma_semaphore, #tpu.memory_space<semaphore_mem>>)
      %dma_wait3A = arith.constant 0 : i32
      %dma_wait3A_30 = arith.constant 0 : i32
      %dma_wait3A_31 = tpu.memref_slice %arg2[%add3A, %dma_wait3A, %dma_wait3A_30] : memref<32x125x80xi32, #tpu.memory_space<hbm>> -> memref<1x125x80xi32, #tpu.memory_space<hbm>>
      %dma_wait3A_32 = tpu.memref_squeeze %dma_wait3A_31 : memref<1x125x80xi32, #tpu.memory_space<hbm>> -> memref<125x80xi32, #tpu.memory_space<hbm>>
      %dma_wait3A_33 = arith.constant 0 : i32
      %dma_wait3A_34 = arith.constant 0 : i32
      %dma_wait3A_35 = tpu.memref_slice %arg2[%add3A, %dma_wait3A_33, %dma_wait3A_34] : memref<32x125x80xi32, #tpu.memory_space<hbm>> -> memref<1x125x80xi32, #tpu.memory_space<hbm>>
      %dma_wait3A_36 = tpu.memref_squeeze %dma_wait3A_35 : memref<1x125x80xi32, #tpu.memory_space<hbm>> -> memref<125x80xi32, #tpu.memory_space<hbm>>
      tpu.wait_dma2 semaphore(%run_scoped3A : memref<!tpu.dma_semaphore, #tpu.memory_space<semaphore_mem>>) src(%dma_wait3A_36 : memref<125x80xi32, #tpu.memory_space<hbm>>) dst(%arg6 : memref<125x80xi32, #tpu.memory_space<vmem>>)
      tpu.yield
    }) : () -> ()
    %mul3A_1 = arith.constant 624 : i32
    %mul3A_2 = arith.muli %arg1, %mul3A_1 : i32
    %multiple_of3A = tpu.assume_multiple %mul3A_2, 8 : i32
    "tpu.region"() ({
      %run_scoped3A = tpu.sem_alloc : memref<!tpu.dma_semaphore, #tpu.memory_space<semaphore_mem>>
      %dma_start3A = arith.constant 0 : i32
      %dma_start3A_23 = tpu.memref_slice %arg8[%multiple_of3A, %dma_start3A] : memref<10000x128xf32, #tpu.memory_space<vmem_shared>> -> memref<624x128xf32, #tpu.memory_space<vmem_shared>>
      %dma_start3A_24 = arith.constant 0 : i32
      %dma_start3A_25 = tpu.memref_slice %arg3[%multiple_of3A, %dma_start3A_24] : memref<10000x128xf32, #tpu.memory_space<hbm>> -> memref<624x128xf32, #tpu.memory_space<hbm>>
      tpu.enqueue_dma source(%dma_start3A_25 : memref<624x128xf32, #tpu.memory_space<hbm>>) target(%dma_start3A_23 : memref<624x128xf32, #tpu.memory_space<vmem_shared>>) target_semaphore(%run_scoped3A : memref<!tpu.dma_semaphore, #tpu.memory_space<semaphore_mem>>)
      %dma_wait3A = arith.constant 0 : i32
      %dma_wait3A_26 = tpu.memref_slice %arg8[%multiple_of3A, %dma_wait3A] : memref<10000x128xf32, #tpu.memory_space<vmem_shared>> -> memref<624x128xf32, #tpu.memory_space<vmem_shared>>
      %dma_wait3A_27 = arith.constant 0 : i32
      %dma_wait3A_28 = tpu.memref_slice %arg3[%multiple_of3A, %dma_wait3A_27] : memref<10000x128xf32, #tpu.memory_space<hbm>> -> memref<624x128xf32, #tpu.memory_space<hbm>>
      tpu.wait_dma2 semaphore(%run_scoped3A : memref<!tpu.dma_semaphore, #tpu.memory_space<semaphore_mem>>) src(%dma_wait3A_28 : memref<624x128xf32, #tpu.memory_space<hbm>>) dst(%dma_wait3A_26 : memref<624x128xf32, #tpu.memory_space<vmem_shared>>)
      tpu.yield
    }) : () -> ()
    %eq3A = arith.constant 0 : i32
    %eq3A_3 = arith.cmpi eq, %arg1, %eq3A : i32
    %convert_element_type3A = arith.extui %eq3A_3 : i1 to i32
    %cond3A = arith.constant 0 : i32
    %cond3A_4 = arith.cmpi ne, %convert_element_type3A, %cond3A : i32
    scf.if %cond3A_4 {
      "tpu.region"() ({
        %run_scoped3A = tpu.sem_alloc : memref<!tpu.dma_semaphore, #tpu.memory_space<semaphore_mem>>
        %dma_start3A = arith.constant 9984 : i32
        %dma_start3A_23 = arith.constant 0 : i32
        %dma_start3A_24 = tpu.memref_slice %arg8[%dma_start3A, %dma_start3A_23] : memref<10000x128xf32, #tpu.memory_space<vmem_shared>> -> memref<16x128xf32, #tpu.memory_space<vmem_shared>>
        %dma_start3A_25 = arith.constant 9984 : i32
        %dma_start3A_26 = arith.constant 0 : i32
        %dma_start3A_27 = tpu.memref_slice %arg3[%dma_start3A_25, %dma_start3A_26] : memref<10000x128xf32, #tpu.memory_space<hbm>> -> memref<16x128xf32, #tpu.memory_space<hbm>>
        tpu.enqueue_dma source(%dma_start3A_27 : memref<16x128xf32, #tpu.memory_space<hbm>>) target(%dma_start3A_24 : memref<16x128xf32, #tpu.memory_space<vmem_shared>>) target_semaphore(%run_scoped3A : memref<!tpu.dma_semaphore, #tpu.memory_space<semaphore_mem>>)
        %dma_wait3A = arith.constant 9984 : i32
        %dma_wait3A_28 = arith.constant 0 : i32
        %dma_wait3A_29 = tpu.memref_slice %arg8[%dma_wait3A, %dma_wait3A_28] : memref<10000x128xf32, #tpu.memory_space<vmem_shared>> -> memref<16x128xf32, #tpu.memory_space<vmem_shared>>
        %dma_wait3A_30 = arith.constant 9984 : i32
        %dma_wait3A_31 = arith.constant 0 : i32
        %dma_wait3A_32 = tpu.memref_slice %arg3[%dma_wait3A_30, %dma_wait3A_31] : memref<10000x128xf32, #tpu.memory_space<hbm>> -> memref<16x128xf32, #tpu.memory_space<hbm>>
        tpu.wait_dma2 semaphore(%run_scoped3A : memref<!tpu.dma_semaphore, #tpu.memory_space<semaphore_mem>>) src(%dma_wait3A_32 : memref<16x128xf32, #tpu.memory_space<hbm>>) dst(%dma_wait3A_29 : memref<16x128xf32, #tpu.memory_space<vmem_shared>>)
        tpu.yield
      }) : () -> ()
    } else {
    }
    %barrier3A = arith.constant 0 : index
    tpu.barrier barrier_id(%barrier3A)
    %scan3A = arith.constant 0 : i32
    %scan3A_5 = arith.constant 0 : i32
    %scan3A_6 = arith.constant 125 : i32
    %scan3A_7 = arith.addi %scan3A_5, %scan3A_6 : i32
    %scan3A_8 = arith.constant 1 : i32
    scf.for %scan3A_23 = %scan3A_5 to %scan3A_7 step %scan3A_8  : i32 {
      "tpu.region"() ({
        %run_scoped3A = tpu.sem_alloc : memref<!tpu.dma_semaphore, #tpu.memory_space<semaphore_mem>>
        %dma_start3A = arith.constant 0 : i32
        %dma_start3A_24 = tpu.memref_slice %arg6[%scan3A_23, %dma_start3A] : memref<125x80xi32, #tpu.memory_space<vmem>> -> memref<1x80xi32, #tpu.memory_space<vmem>>
        %dma_start3A_25 = tpu.memref_squeeze %dma_start3A_24 : memref<1x80xi32, #tpu.memory_space<vmem>> -> memref<80xi32, #tpu.memory_space<vmem>>
        %dma_start3A_26 = arith.constant 0 : i32
        %dma_start3A_27 = arith.constant 0 : i32
        %dma_start3A_28 = tpu.memref_slice %arg8[%dma_start3A_26, %dma_start3A_27] : memref<10000x128xf32, #tpu.memory_space<vmem_shared>> -> memref<10000x128xf32, #tpu.memory_space<vmem_shared>>
        tpu.enqueue_indirect_dma source(%arg7 : memref<80x128xf32, #tpu.memory_space<vmem>>) target(%dma_start3A_28 : memref<10000x128xf32, #tpu.memory_space<vmem_shared>>) offsets(%dma_start3A_25 : memref<80xi32, #tpu.memory_space<vmem>>) semaphore(%run_scoped3A : memref<!tpu.dma_semaphore, #tpu.memory_space<semaphore_mem>>) {add = true}
        %dma_wait3A = arith.constant 0 : i32
        %dma_wait3A_29 = tpu.memref_slice %arg6[%scan3A_23, %dma_wait3A] : memref<125x80xi32, #tpu.memory_space<vmem>> -> memref<1x80xi32, #tpu.memory_space<vmem>>
        %dma_wait3A_30 = tpu.memref_squeeze %dma_wait3A_29 : memref<1x80xi32, #tpu.memory_space<vmem>> -> memref<80xi32, #tpu.memory_space<vmem>>
        %dma_wait3A_31 = arith.constant 0 : i32
        %dma_wait3A_32 = arith.constant 0 : i32
        %dma_wait3A_33 = tpu.memref_slice %arg8[%dma_wait3A_31, %dma_wait3A_32] : memref<10000x128xf32, #tpu.memory_space<vmem_shared>> -> memref<10000x128xf32, #tpu.memory_space<vmem_shared>>
        tpu.wait_indirect_dma semaphore(%run_scoped3A : memref<!tpu.dma_semaphore, #tpu.memory_space<semaphore_mem>>) src(%arg7 : memref<80x128xf32, #tpu.memory_space<vmem>>) dst(%dma_wait3A_33 : memref<10000x128xf32, #tpu.memory_space<vmem_shared>>)
        tpu.yield
      }) : () -> ()
    }
    %scan3A_9 = arith.constant 125 : i32
    %barrier3A_10 = arith.constant 0 : index
    tpu.barrier barrier_id(%barrier3A_10)
    %mul3A_11 = arith.constant 624 : i32
    %mul3A_12 = arith.muli %arg1, %mul3A_11 : i32
    %multiple_of3A_13 = tpu.assume_multiple %mul3A_12, 8 : i32
    %mul3A_14 = arith.constant 10000 : i32
    %mul3A_15 = arith.muli %arg0, %mul3A_14 : i32
    %multiple_of3A_16 = tpu.assume_multiple %mul3A_15, 8 : i32
    %add3A_17 = arith.addi %multiple_of3A_16, %multiple_of3A_13 : i32
    "tpu.region"() ({
      %run_scoped3A = tpu.sem_alloc : memref<!tpu.dma_semaphore, #tpu.memory_space<semaphore_mem>>
      %dma_start3A = arith.constant 0 : i32
      %dma_start3A_23 = tpu.memref_slice %arg5[%add3A_17, %dma_start3A] : memref<20000x128xf32, #tpu.memory_space<hbm>> -> memref<624x128xf32, #tpu.memory_space<hbm>>
      %dma_start3A_24 = arith.constant 0 : i32
      %dma_start3A_25 = tpu.memref_slice %arg8[%multiple_of3A_13, %dma_start3A_24] : memref<10000x128xf32, #tpu.memory_space<vmem_shared>> -> memref<624x128xf32, #tpu.memory_space<vmem_shared>>
      tpu.enqueue_dma source(%dma_start3A_25 : memref<624x128xf32, #tpu.memory_space<vmem_shared>>) target(%dma_start3A_23 : memref<624x128xf32, #tpu.memory_space<hbm>>) target_semaphore(%run_scoped3A : memref<!tpu.dma_semaphore, #tpu.memory_space<semaphore_mem>>)
      %dma_wait3A = arith.constant 0 : i32
      %dma_wait3A_26 = tpu.memref_slice %arg5[%add3A_17, %dma_wait3A] : memref<20000x128xf32, #tpu.memory_space<hbm>> -> memref<624x128xf32, #tpu.memory_space<hbm>>
      %dma_wait3A_27 = arith.constant 0 : i32
      %dma_wait3A_28 = tpu.memref_slice %arg8[%multiple_of3A_13, %dma_wait3A_27] : memref<10000x128xf32, #tpu.memory_space<vmem_shared>> -> memref<624x128xf32, #tpu.memory_space<vmem_shared>>
      tpu.wait_dma2 semaphore(%run_scoped3A : memref<!tpu.dma_semaphore, #tpu.memory_space<semaphore_mem>>) src(%dma_wait3A_28 : memref<624x128xf32, #tpu.memory_space<vmem_shared>>) dst(%dma_wait3A_26 : memref<624x128xf32, #tpu.memory_space<hbm>>)
      tpu.yield
    }) : () -> ()
    %eq3A_18 = arith.constant 0 : i32
    %eq3A_19 = arith.cmpi eq, %arg1, %eq3A_18 : i32
    %convert_element_type3A_20 = arith.extui %eq3A_19 : i1 to i32
    %cond3A_21 = arith.constant 0 : i32
    %cond3A_22 = arith.cmpi ne, %convert_element_type3A_20, %cond3A_21 : i32
    scf.if %cond3A_22 {
      %add3A_23 = arith.constant 9984 : i32
      %add3A_24 = arith.addi %multiple_of3A_16, %add3A_23 : i32
      "tpu.region"() ({
        %run_scoped3A = tpu.sem_alloc : memref<!tpu.dma_semaphore, #tpu.memory_space<semaphore_mem>>
        %dma_start3A = arith.constant 0 : i32
        %dma_start3A_25 = tpu.memref_slice %arg5[%add3A_24, %dma_start3A] : memref<20000x128xf32, #tpu.memory_space<hbm>> -> memref<16x128xf32, #tpu.memory_space<hbm>>
        %dma_start3A_26 = arith.constant 9984 : i32
        %dma_start3A_27 = arith.constant 0 : i32
        %dma_start3A_28 = tpu.memref_slice %arg8[%dma_start3A_26, %dma_start3A_27] : memref<10000x128xf32, #tpu.memory_space<vmem_shared>> -> memref<16x128xf32, #tpu.memory_space<vmem_shared>>
        tpu.enqueue_dma source(%dma_start3A_28 : memref<16x128xf32, #tpu.memory_space<vmem_shared>>) target(%dma_start3A_25 : memref<16x128xf32, #tpu.memory_space<hbm>>) target_semaphore(%run_scoped3A : memref<!tpu.dma_semaphore, #tpu.memory_space<semaphore_mem>>)
        %dma_wait3A = arith.constant 0 : i32
        %dma_wait3A_29 = tpu.memref_slice %arg5[%add3A_24, %dma_wait3A] : memref<20000x128xf32, #tpu.memory_space<hbm>> -> memref<16x128xf32, #tpu.memory_space<hbm>>
        %dma_wait3A_30 = arith.constant 9984 : i32
        %dma_wait3A_31 = arith.constant 0 : i32
        %dma_wait3A_32 = tpu.memref_slice %arg8[%dma_wait3A_30, %dma_wait3A_31] : memref<10000x128xf32, #tpu.memory_space<vmem_shared>> -> memref<16x128xf32, #tpu.memory_space<vmem_shared>>
        tpu.wait_dma2 semaphore(%run_scoped3A : memref<!tpu.dma_semaphore, #tpu.memory_space<semaphore_mem>>) src(%dma_wait3A_32 : memref<16x128xf32, #tpu.memory_space<vmem_shared>>) dst(%dma_wait3A_29 : memref<16x128xf32, #tpu.memory_space<hbm>>)
        tpu.yield
      }) : () -> ()
    } else {
    }
    return
  }
}

</mosaic_0001>

<sc_bundles>
// kernel: _sc_degree.3.cloned.1.call-start
scs
__scs_entry_jumppad:
0x0: {  	(pc) =	sbr.rel $0x88, $3  }
0x1: {  	(tag) =	ssettag $0x0;
	lr =	simm.s32 $0x1  }
0x2: {  	[smem:$0x3F9E] =	sst lr;
	_ =	strace $0xD0000000  }
0x3: {  	_ = 	snop  }
0x4: {  	_ = 	snop  }
0x5: {  	_ = 	snop  }
0x6: {  	_ = 	snop  }
0x7: {  	_ = 	snop  }
__scs_overlays_trampoline_lowered:
0x8: {  	[smem:$0x3FAD] =	sst s0  }
0x9: {  	[smem:$0x3FAE] =	sst s1  }
0xa: {  	[smem:$0x3FAF] =	sst s2  }
0xb: {  	[smem:$0x3FB0] =	sst s3  }
0xc: {  	[smem:$0x3FB1] =	sst s4  }
0xd: {  	[smem:$0x3FB2] =	sst s5  }
0xe: {  	[smem:$0x3FB3] =	sst s6  }
0xf: {  	[smem:$0x3FB4] =	sst s7  }
0x10: {  	[smem:$0x3FB5] =	sst s8  }
0x11: {  	[smem:$0x3FB6] =	sst s9;
	s0 =	simm.s32 @!p0 $0x0  }
0x12: {  	s1 =	sld [smem:$0x3F9C];
	s0 =	simm.s32 @p0 $0x1  }
0x13: {  	[smem:$0x3FB7] =	sst s0;
	s0 =	simm.s32 @!p1 $0x0  }
0x14: {  	s2 =	sld [smem:$0x3F9B];
	s0 =	simm.s32 @p1 $0x1  }
0x15: {  	[smem:$0x3FB8] =	sst s0;
	s0 =	simm.s32 @!p2 $0x0  }
0x16: {  	s3 =	sld [smem:$0x3FDB];
	s0 =	simm.s32 @p2 $0x1  }
0x17: {  	s4 =	simm.s32 $0x1BF5;
	[smem:$0x3FBA] =	sst s0  }
0x18: {  	s0 =	sld [smem:$0x3F9D];
	_ =	swait.ge [sflag:s4], $0x0  }
0x19: {  	s7 =	sld [smem:$0x3F9E]  }
0x1a: {  	s8 =	sadd.s32 $0xFFFFE003, lr  }
0x1b: {  	s9 =	sadd.s32 $0xFFFFFEF7, lr;
	s5 =	simm.s32 $0xFFFFFFFF;
	p2 =	slt.u32 s8, $0xFFFFF086  }
0x1c: {  	p1 =	slt.u32 s9, $0xF7A;
	s5 =	simm.s32 @!p2 $0x0  }
0x1d: {  	s5 =	simm.s32 @p1 $0x1;
	p0 =	seq.s32 s7, s2  }
0x1e: {  	s7 =	smul.u32 @!p0 $0xF7A, s2;
	p2 =	seq.s32 @!p0 s5, $0x0  }
0x1f: {  	s9 =	smul.u32 $0xF7A, s1;
	s8 =	simm.s32 @!p0 $0x1BF5;
	p2 =	por !p2, p0  }
0x20: {  	[sflag:s8] =	ssyncset.s32 @!p0 $0xFFFFF086;
	s6 =	sadd.s32 @!p0 s3, s7;
	s7 =	simm.s32 @!p0 $0x108  }
0x21: {  	s3 =	sadd.s32 s3, s9;
	s6 =	sadd.s32 @!p0 $0x88, s6;
	s7 =	simm.s32 @p2 $0x1082  }
0x22: {  	[simem:s7], [sflag:s8] =	dma.local @!p0 [hbm:s6], $0xF7A  }
0x23: {  	s9 =	sor.u32 $0xD0000000, s2;
	s6 =	simm.s32 $0x108;
	_ =	swait.ge @!p0 [sflag:s8], $0x0  }
0x24: {  	s3 =	sadd.s32 $0x88, s3;
	s6 =	simm.s32 @!p1 $0x1082;
	[sflag:s4] =	ssyncset.s32 $0xFFFFF086  }
0x25: {  	[simem:s6], [sflag:s4] =	dma.local [hbm:s3], $0xF7A  }
0x26: {  	[smem:$0x3F9E] =	sst s1;
	(tag) =	ssettag s2;
	_ =	strace s9  }
0x27: {  	s1 =	sld [smem:$0x3FAE]  }
0x28: {  	s2 =	sld [smem:$0x3FAF]  }
0x29: {  	s4 =	sld [smem:$0x3FB1]  }
0x2a: {  	p0 =	seq.s32 s5, $0x0;
	s5 =	sld [smem:$0x3FB2]  }
0x2b: {  	s6 =	sld [smem:$0x3FB3]  }
0x2c: {  	s7 =	sld [smem:$0x3FB4]  }
0x2d: {  	s3 =	simm.s32 $0x108;
	s8 =	sld [smem:$0x3FB5]  }
0x2e: {  	s3 =	simm.s32 @!p0 $0x1082;
	s9 =	sld [smem:$0x3FB6]  }
0x2f: {  	lr =	sadd.s32 s0, s3;
	s0 =	sld [smem:$0x3FAD]  }
0x30: {  	s3 =	sld [smem:$0x3FB0]  }
0x31: {  	[smem:$0x3FB9] =	sst s10  }
0x32: {  	s10 =	sld [smem:$0x3FB7];
	_ =	sdelay $0x3  }
0x33: {  	p0 =	seq.s32 s10, $0x1;
	s10 =	sld [smem:$0x3FB9];
	_ =	sdelay $0x3  }
0x34: {  	[smem:$0x3FB9] =	sst s10  }
0x35: {  	s10 =	sld [smem:$0x3FB8];
	_ =	sdelay $0x3  }
0x36: {  	p1 =	seq.s32 s10, $0x1;
	s10 =	sld [smem:$0x3FB9];
	_ =	sdelay $0x3  }
0x37: {  	[smem:$0x3FB9] =	sst s10  }
0x38: {  	s10 =	sld [smem:$0x3FBA]  }
0x39: {  	_ = 	snop;
	(pc) =	sbr.ind lr, $3  }
0x3a: {  	_ = 	snop  }
0x3b: {  	_ = 	snop  }
0x3c: {  	p2 =	seq.s32 s10, $0x1;
	s10 =	sld [smem:$0x3FB9]  }
0x3d: {  	_ =	shalt  }
0x3e: {  	_ =	shalt  }
0x3f: {  	_ =	shalt  }
0x40: {  	_ =	shalt  }
0x41: {  	_ =	shalt  }
0x42: {  	_ =	shalt  }
0x43: {  	_ =	shalt  }
0x44: {  	_ =	shalt  }
0x45: {  	_ =	shalt  }
0x46: {  	_ =	shalt  }
0x47: {  	_ =	shalt  }
0x48: {  	_ =	shalt  }
0x49: {  	_ =	shalt  }
0x4a: {  	_ =	shalt  }
0x4b: {  	_ =	shalt  }
0x4c: {  	_ =	shalt  }
0x4d: {  	_ =	shalt  }
0x4e: {  	_ =	shalt  }
0x4f: {  	_ =	shalt  }
0x50: {  	_ =	shalt  }
0x51: {  	_ =	shalt  }
0x52: {  	_ =	shalt  }
0x53: {  	_ =	shalt  }
0x54: {  	_ =	shalt  }
0x55: {  	_ =	shalt  }
0x56: {  	_ =	shalt  }
0x57: {  	_ =	shalt  }
0x58: {  	_ =	shalt  }
0x59: {  	_ =	shalt  }
0x5a: {  	_ =	shalt  }
0x5b: {  	_ =	shalt  }
0x5c: {  	_ =	shalt  }
0x5d: {  	_ =	shalt  }
0x5e: {  	_ =	shalt  }
0x5f: {  	_ =	shalt  }
0x60: {  	_ =	shalt  }
0x61: {  	_ =	shalt  }
0x62: {  	_ =	shalt  }
0x63: {  	_ =	shalt  }
0x64: {  	_ =	shalt  }
0x65: {  	_ =	shalt  }
0x66: {  	_ =	shalt  }
0x67: {  	_ =	shalt  }
0x68: {  	_ =	shalt  }
0x69: {  	_ =	shalt  }
0x6a: {  	_ =	shalt  }
0x6b: {  	_ =	shalt  }
0x6c: {  	_ =	shalt  }
0x6d: {  	_ =	shalt  }
0x6e: {  	_ =	shalt  }
0x6f: {  	_ =	shalt  }
0x70: {  	_ =	shalt  }
0x71: {  	_ =	shalt  }
0x72: {  	_ =	shalt  }
0x73: {  	_ =	shalt  }
0x74: {  	_ =	shalt  }
0x75: {  	_ =	shalt  }
0x76: {  	_ =	shalt  }
0x77: {  	_ =	shalt  }
0x78: {  	_ =	shalt  }
0x79: {  	_ =	shalt  }
0x7a: {  	_ =	shalt  }
0x7b: {  	_ =	shalt  }
0x7c: {  	_ =	shalt  }
0x7d: {  	_ =	shalt  }
0x7e: {  	_ =	shalt  }
0x7f: {  	_ =	shalt  }
0x80: {  	_ =	shalt  }
0x81: {  	_ =	shalt  }
0x82: {  	_ =	shalt  }
0x83: {  	_ =	shalt  }
0x84: {  	_ =	shalt  }
0x85: {  	_ =	shalt  }
0x86: {  	_ =	shalt  }
0x87: {  	_ =	shalt  }
.Lfunc_end0:
.L_simem_size_0:
called_computation_lowered:
.L_overlay_start_0:
0x88: {  	s2 =	sld [smem:$0x3FD9]  }
0x89: {  	s3 =	sld [smem:$0x3FFE];
	_ =	sdelay $0x1  }
0x8a: {  	s1 =	srdreg.scid  }
0x8b: {  	s0 =	sand.u32 $0x1, s1  }
0x8c: {  	s17 =	sshll.u32 s0, $0xA;
	s2 =	sadd.s32 s3, s2  }
0x8d: {  	s2 =	sadd.s32 s2, s17  }
0x8e: {  	[smem:$0x3FC5] =	sst s2  }
0x8f: {  	_ = 	snop  }
0x90: {  	s2 =	sld [smem:$0x3FC8]  }
0x91: {  	s18 =	sld [smem:$0x3FC7]  }
0x92: {  	s4 =	sld [smem:$0x3FD0];
	(tm) =	ssettm $0x1  }
0x93: {  	s5 =	sld [smem:$0x3FFB];
	_ =	sdelay $0x3  }
0x94: {  	_ =	strace s5  }
0x95: {  	s5 =	sld [smem:$0x3FFC];
	_ =	sdelay $0x3  }
0x96: {  	_ =	strace s5  }
0x97: {  	s5 =	sld [smem:$0x3FFD];
	_ =	sdelay $0x3  }
0x98: {  	_ =	strace s5  }
0x99: {  	_ =	strace $0x8FFFFFFF  }
0x9a: {  	s19 =	sld [smem:$0x3FDB];
	_ =	sdelay $0x1  }
0x9b: {  	s6 =	simm.s32 $_scs_section_size  }
0x9c: {  	s7 =	simm.s32 $_size__tile_overlayer_lowered;
	s8 =	simm.s32 $_tile_overlayer_lowered  }
0x9d: {  	s22 =	simm.s32 $0x1BFF;
	s21 =	sshll.u32 s8, $0x1;
	s5 =	sadd.s32 s6, s19  }
0x9e: {  	s9 =	simm.s32 $0x0;
	s20 =	sshll.u32 s7, $0x1;
	s7 =	sadd.s32 s21, s5  }
0x9f: {  	[timem:s9], [sflag:s22] =	dma.local [hbm:s7], s20  }
0xa0: {  	_ =	swait.ge [sflag:s22], s20  }
0xa1: {  	s6 =	ssub.s32 $0x0, s20;
	[sflag:s22] =	ssyncset.done $0x0  }
0xa2: {  	[sflag:s22] =	ssyncadd.s32 s6;
	_ =	sdelay $0x1  }
0xa3: {  	s23 =	simm.s32 $0x1B8B  }
0xa4: {  	_ =	swait.ge [sflag:s23], $0x1  }
0xa5: {  	[sflag:s23] =	ssyncset.done $0x0  }
0xa6: {  	s25 =	simm.s32 $0x1B8E;
	s24 =	sld [smem:$0x3FFE];
	[sflag:s23] =	ssyncadd.s32 $0xFFFFFFFF  }
0xa7: {  	s26 =	simm.s32 $execute0_lowered;
	[smem:$0x3FD2] =	sst s25  }
0xa8: {  	s7 =	sshll.u32 s26, $0x1;
	_ =	strace $0x80000046;
	[dreg:$0x1] =	wrdreg $0xFFFFFFFF  }
0xa9: {  	s28 =	simm.s32 $_size_execute0_lowered;
	s5 =	sadd.s32 s5, s7;
	[dreg:$0x0] =	wrdreg $0x0  }
0xaa: {  	s7 =	sshll.u32 s28, $0x1;
	[dreg:$0x2] =	wrdreg s5  }
0xab: {  	[dreg:$0x3] =	wrdreg s7  }
0xac: {  	[dreg:$0x4] =	wrdreg $0xC0  }
0xad: {  	_ =	task [dreg:s9], $0x5FFFF  }
0xae: {  	[dreg:$0x1] =	wrdreg $0xFFFFFFFF  }
0xaf: {  	[dreg:$0x0] =	wrdreg $0x60  }
0xb0: {  	[dreg:$0x2] =	wrdreg s24  }
0xb1: {  	[dreg:$0x3] =	wrdreg s2  }
0xb2: {  	[dreg:$0x4] =	wrdreg s18  }
0xb3: {  	[dreg:$0x5] =	wrdreg s4  }
0xb4: {  	[dreg:$0x6] =	wrdreg $0x68000  }
0xb5: {  	[dreg:$0x7] =	wrdreg $0x9  }
0xb6: {  	_ =	task.clear_ibuf [dreg:s9], $0x8FFFF;
	_ =	strace $0x90000046  }
0xb7: {  	s29 =	simm.s32 $0x9;
	_ =	strace $0x80000048  }
0xb8: {  	_ =	swait.ge [sflag:s29], $0x1  }
0xb9: {  	[sflag:s29] =	ssyncadd.s32 $0xFFFFFFFF  }
0xba: {  	_ =	strace $0x90000048  }
0xbb: {  	_ =	sfence  }
0xbc: {  	s30 =	sld [smem:$0x0];
	_ =	sdelay $0x2  }
0xbd: {  	s31 =	sshll.u32 s1, $0xD;
	s1 =	sshrl.u32 s1, $0x2  }
0xbe: {  	s3 =	sand.u32 $0x4000, s31;
	s1 =	sadd.s32 s1, s30  }
0xbf: {  	s0 =	sor.u32 s3, s0;
	s1 =	sshll.u32 s1, $0x11  }
0xc0: {  	s0 =	sor.u32 s1, s0  }
0xc1: {  	s0 =	sadd.s32 $0x8F2B, s0  }
0xc2: {  	[sflag:s0] =	ssyncadd.remote.s32 $0x1  }
0xc3: {  	_ =	sfence.sel $0xFFFF  }
0xc4: {  	[dreg:$0x0] =	wrdreg $0xFFFFFFFF;
	(pc) =	sbr.abs _section_cstart, $3  }
0xc5: {  	[dreg:$0x1] =	wrdreg $0xFFFFFFFF  }
0xc6: {  	_ =	task.clear_ibuf [dreg:s9], $0x2FFFF;
	_ =	strace $0x9FFFFFFF  }
0xc7: {  	(tm) =	ssettm $0x7FFFFFFF  }
tec
execute0_lowered:
.L_overlay_start_1:
0x0: {  	(tag) =	ssettag $0x1  }
0x1: {  	s4 =	rddreg [dreg:$0x0]  }
0x2: {  	s6 =	rddreg [dreg:$0x1]  }
0x3: {  	s1 =	rddreg [dreg:$0x2]  }
0x4: {  	s7 =	rddreg [dreg:$0x3]  }
0x5: {  	s2 =	rddreg [dreg:$0x4]  }
0x6: {  	s0 =	rddreg [dreg:$0x5];
	s3 =	simm.s32 $0x0;
	s5 =	srdreg.scid  }
0x7: {  	s11 =	stileid.u32;
	s15 =	simm.s32 $0x50;
	s16 =	simm.s32 $0x0  }
0x8: {  	[smem:$0x7FF] =	sst s3;
	s5 =	sand.u32 $0x1, s5;
	s10 =	smul.u32 $0x4E000, s11  }
0x9: {  	s26 =	sshll.u32 s11, $0xC;
	s12 =	smul.u32 $0x2700, s11;
	s14 =	sadd.s32 $0x138000, s2  }
0xa: {  	p0 =	sne.s32 s11, $0x0;
	s31 =	sshll.u32 s11, $0x6;
	_ =	strace $0x80000047  }
0xb: {  	s11 =	simm.s32 $0x1;
	s8 =	sshll.u32 s5, $0xB;
	s29 =	smul.u32 $0x138800, s5  }
0xc: {  	s9 =	ssub.s32 $0x2, s5;
	s30 =	smul.u32 $0x27100, s5;
	s14 =	sshrl.u32 @!p0 s14, $0x3  }
0xd: {  	s4 =	sadd.s32 s8, s4;
	s25 =	sshrl.u32 s9, $0x1;
	s28 =	sshrl.u32 s10, $0x2  }
0xe: {  	s5 =	sadd.s32 s6, s12;
	s6 =	sadd.s32 $0x27000, s6;
	s9 =	ssub.s32 s9, s25  }
0xf: {  	s4 =	sadd.s32 s26, s4;
	s13 =	sadd.s32 s28, s2;
	s10 =	sshrl.u32 s29, $0x3  }
0x10: {  	s8 =	sadd.s32 s12, s30;
	s12 =	sor.u32 $0x1C01, s31;
	s4 =	sadd.s32 $0x400, s4  }
0x11: {  	s10 =	sadd.s32 s7, s10;
	s7 =	sadd.s32 s7, s8;
	s9 =	smax.u32 s9, $0x1  }
0x12: {  	s13 =	sshrl.u32 s13, $0x3;
	s8 =	sadd.s32 $0x27000, s10;
	s10 =	simm.s32 $0x4000  }
.LBB2_1:
0x13: {  	[tilespmem:s10], [sflag:$0x1] =	stream.linear.gather [hbm4b:s1+s3], $0x2800, $0x38;
	[tilespmem:$0x1A080] =	vst v63  }
0x14: {  	_ =	swait.ge [sflag:s11], $0x2800  }
0x15: {  	[sflag:s11] =	ssyncset.done $0x0  }
0x16: {  	[sflag:s11] =	ssyncadd.s32 $0xFFFFD800  }
0x17: {  	[tilespmem:s3], [sflag:$0x1] =	stream.linear.gather [hbm4b:s4+s3], $0x3E80, $0x38;
	[tilespmem:$0x1A080] =	vst v63  }
0x18: {  	_ =	swait.ge [sflag:s11], $0x3E80  }
0x19: {  	[sflag:s11] =	ssyncset.done $0x0  }
0x1a: {  	[sflag:s11] =	ssyncadd.s32 $0xFFFFC180  }
0x1b: {  	[spmem:s13], [sflag:s12] =	dma.local [hbm:s5], $0x2700  }
0x1c: {  	_ =	swait.ge [sflag:s11], $0x2700  }
0x1d: {  	[sflag:s11] =	ssyncset.done $0x0  }
0x1e: {  	s17 =	simm.s32 @!p0 $0x1;
	[sflag:s11] =	ssyncadd.s32 $0xFFFFD900  }
0x1f: {  	[spmem:s14], [sflag:s12] =	dma.local @!p0 [hbm:s6], $0x100  }
0x20: {  	_ =	swait.ge @!p0 [sflag:s17], $0x100  }
0x21: {  	[sflag:s17] =	ssyncset.done @!p0 $0x0  }
0x22: {  	[sflag:s17] =	ssyncadd.s32 @!p0 $0xFFFFFF00  }
0x23: {  	s31 =	simm.s32 $0x0;
	[bflag:$0x0] =	sbarrier.arrive $0xFFFF  }
0x24: {  	[spmem:s2] =	stream.indirect.scatter.add.f32 [tilespmem:s10], [sflag:$0x1], $0x80, s31, s15, $0xb8;
	[tilespmem:$0x1A080] =	vst v63  }
0x25: {  	_ =	swait.ge [sflag:s11], $0x2800  }
0x26: {  	s17 =	simm.s32 $0x200;
	[sflag:s11] =	ssyncset.done $0x0  }
.LBB2_2:
0x27: {  	s18 =	sshra.s32 s17, $0x2;
	[sflag:s11] =	ssyncadd.s32 $0xFFFFD800;
	p1 =	sne.s32 s17, $0xF800  }
0x28: {  	[spmem:s2] =	stream.indirect.scatter.add.f32 [tilespmem:s10], [sflag:$0x1], $0x80, s18, s15, $0xb8;
	[tilespmem:$0x1A080] =	vst v63  }
.Ltmp0:
0x29: {  	_ = 	snop;
	(pc) =	sbr.rel @p1 .LBB2_2-.Ltmp0, $4  }
0x2a: {  	_ = 	snop  }
0x2b: {  	s17 =	sadd.s32 $0x200, s17  }
0x2c: {  	_ =	swait.ge [sflag:s11], $0x2800  }
0x2d: {  	[sflag:s11] =	ssyncset.done $0x0  }
0x2e: {  	[sflag:s11] =	ssyncadd.s32 $0xFFFFD800  }
0x2f: {  	[bflag:$0x0] =	sbarrier.arrive $0xFFFF  }
0x30: {  	[hbm:s7], [sflag:s12] =	dma.local [spmem:s13], $0x2700  }
0x31: {  	s16 =	sadd.s32 $0x1, s16;
	_ =	swait.ge [sflag:s11], $0x2700  }
0x32: {  	p1 =	sne.s32 s16, s9;
	[sflag:s11] =	ssyncset.done $0x0  }
.Ltmp1:
0x33: {  	s17 =	simm.s32 @!p0 $0x1;
	[sflag:s11] =	ssyncadd.s32 $0xFFFFD900;
	(pc) =	sbr.rel @p1 .LBB2_1-.Ltmp1, $4  }
0x34: {  	[hbm:s8], [sflag:s12] =	dma.local @!p0 [spmem:s14], $0x100  }
0x35: {  	_ =	swait.ge @!p0 [sflag:s17], $0x100  }
0x36: {  	[sflag:s17] =	ssyncset.done @!p0 $0x0  }
0x37: {  	[sflag:s17] =	ssyncadd.s32 @!p0 $0xFFFFFF00  }
0x38: {  	_ =	sfence.sel $0x180000  }
0x39: {  	[bflag:$0x0] =	sbarrier.arrive $0xFFFF  }
0x3a: {  	_ =	strace $0x90000047  }
0x3b: {  	s0 =	sadd.s32 @!p0 $0x100000, s0;
	[bflag:$0x2] =	sbarrier.arrive $0xFFFF  }
0x3c: {  	[sflag:s0] =	ssyncadd.tile.s32 @!p0 $0x1;
	_ =	shalt  }
.Lfunc_end2:
_tile_overlayer_lowered:
.L_overlay_start_2:
0x3d: {  	(tag) =	ssettag $0x2  }
0x3e: {  	s0 =	rddreg [dreg:$0x0];
	s2 =	stileid.u32  }
0x3f: {  	s1 =	rddreg [dreg:$0x1];
	p0 =	sne.s32 s2, $0x0  }
0x40: {  	s3 =	rddreg [dreg:$0x2];
	[bflag:$0x3] =	sbarrier.arrive $0xFFFF;
	s2 =	simm.s32 @!p0 $0x1C01  }
0x41: {  	[timem:s3], [sflag:s2] =	dma.local @!p0 [hbm:s0], s1  }
0x42: {  	s0 =	simm.s32 @!p0 $0x1  }
0x43: {  	_ =	swait.ge @!p0 [sflag:s0], s1  }
0x44: {  	s1 =	ssub.s32 @!p0 $0x0, s1;
	[sflag:s0] =	ssyncset.done @!p0 $0x0  }
0x45: {  	[sflag:s0] =	ssyncadd.s32 @!p0 s1  }
0x46: {  	[bflag:$0x3] =	sbarrier.arrive $0xFFFF  }
0x47: {  	_ =	shalt  }

</sc_bundles>
